<compile_context>
chip_gen: v7x
topology: tpu7x:2x2x1
jax: 0.10.2.dev20260603
libtpu: 0.0.44.dev20260713+nightly
codegen_flags: <defaults>
</compile_context>

<pallas_src>
import functools

import jax
import jax.numpy as jnp
from jax import lax
from jax.experimental import pallas as pl
from jax.experimental.pallas import tpu as pltpu, tpu_sc as plsc

N_NODES = 100000
D_FEAT = 128
BATCH = 65536

NC = 2
NS = 16
NW = NC * NS
CHUNK = 128
ROWS_PER_W = BATCH // NW
N_CHUNKS = ROWS_PER_W // CHUNK
SUP = 2
N_SUP = N_CHUNKS // SUP


def _make_gather():
    mesh = plsc.VectorSubcoreMesh(core_axis_name="c", subcore_axis_name="s")

    K = 3
    LEAD = 2

    @functools.partial(
        pl.kernel,
        mesh=mesh,
        out_type=jax.ShapeDtypeStruct((NW, N_SUP, 1, SUP * CHUNK, D_FEAT),
                                      jnp.float32),
        scratch_types=[
            pltpu.VMEM((N_SUP, 1, SUP * CHUNK), jnp.int32),
        ] + [pltpu.VMEM((1, SUP * CHUNK, D_FEAT), jnp.float32)] * K
          + [pltpu.SemaphoreType.DMA] * (2 * K),
    )
    def gather(table_hbm, idx_hbm, out_hbm, idx_v, *bufs_and_sems):
        bufs = bufs_and_sems[:K]
        gsems = bufs_and_sems[K:2 * K]
        osems = bufs_and_sems[2 * K:3 * K]
        wid = lax.axis_index("s") * NC + lax.axis_index("c")

        pltpu.sync_copy(idx_hbm.at[wid], idx_v)

        def fire_gather(s):
            b = s % K
            return pltpu.async_copy(
                table_hbm.at[idx_v.at[s]], bufs[b],
                gsems[b])

        gcp = [None] * K
        ocp = [None] * K
        for m in range(LEAD):
            gcp[m % K] = fire_gather(m)
        for s in range(N_SUP):
            m = s + LEAD
            if m < N_SUP:
                b = m % K
                if ocp[b] is not None:
                    ocp[b].wait()
                    ocp[b] = None
                gcp[b] = fire_gather(m)
            gcp[s % K].wait()
            ocp[s % K] = pltpu.async_copy(
                bufs[s % K], out_hbm.at[wid, s], osems[s % K])
        for b in range(K):
            if ocp[b] is not None:
                ocp[b].wait()

    return gather


_gather = _make_gather()


def kernel(node_features, source_nodes, timestamps, n_layers):
    del timestamps, n_layers
    idx = source_nodes.reshape(NW, N_SUP, 1, SUP * CHUNK)
    table = node_features.reshape(1, N_NODES, D_FEAT)
    return _gather(table, idx).reshape(BATCH, D_FEAT)

# --- scband reference (transcript-rebuilt; emitter-appended) ---
"""Pipeline reference for scband-graph-embedding-34720515621135 (READ-ONLY COPY).

The authoritative reference and input builder live on the scoring server;
editing this copy changes nothing except your own understanding.
"""

import jax, jax.numpy as jnp
import numpy as np

N_NODES = 100000
D_FEAT = 128
BATCH = 65536


def setup_inputs(seed: int = 0) -> dict:
    key = jax.random.key(seed)
    k1, k2, k3 = jax.random.split(key, 3)
    node_features = jax.random.normal(k1, (N_NODES, D_FEAT), dtype=jnp.float32)
    source_nodes = jax.random.randint(k2, (BATCH,), 0, N_NODES, dtype=jnp.int64 if jax.config.jax_enable_x64 else jnp.int32).astype(jnp.int32)
    timestamps = jax.random.uniform(k3, (BATCH,), dtype=jnp.float32)
    return {
        "node_features": node_features,
        "source_nodes": source_nodes,
        "timestamps": timestamps,
        "n_layers": 0,
    }


def reference(node_features, source_nodes, timestamps, n_layers):
    # Faithful translation of GraphEmbedding.compute_embedding.
    # The torch class leaves `aggregate` unimplemented (abstract base), so the
    # only executable path is the n_layers == 0 base case: a pure row gather
    # of source node features from the node feature table. setup_inputs always
    # passes n_layers == 0, so the base case is taken statically; the traced
    # n_layers value is folded into the result as an exact no-op so the input
    # dependence stays expressed.
    source_node_features = jnp.take(node_features, source_nodes, axis=0)
    # n_layers > 0 requires neighbor_finder.get_temporal_neighbor (host-side
    # temporal sampling) and the abstract `aggregate` method, which are not
    # defined on this class.
    return source_node_features + n_layers * 0

if __name__ == "__main__":
    import jax
    _d = setup_inputs()
    print(jax.jit(kernel)(*tuple(_d.values())))

</pallas_src>

<mosaic_0001>
#map = affine_map<(d0, d1) -> (0, 0, 0)>
#map1 = affine_map<(d0, d1) -> (0, 0, 0, 0)>
#map2 = affine_map<(d0, d1) -> (0, 0, 0, 0, 0)>
module attributes {stable_mosaic.version = 14 : i64} {
  func.func @gather(%arg0: i32, %arg1: i32, %arg2: memref<1x100000x128xf32, #tpu.memory_space<hbm>>, %arg3: memref<32x8x1x256xi32, #tpu.memory_space<hbm>>, %arg4: memref<32x8x1x256x128xf32, #tpu.memory_space<hbm>>, %arg5: memref<8x1x256xi32, #tpu.memory_space<vmem>>, %arg6: memref<1x256x128xf32, #tpu.memory_space<vmem>>, %arg7: memref<1x256x128xf32, #tpu.memory_space<vmem>>, %arg8: memref<1x256x128xf32, #tpu.memory_space<vmem>>, %arg9: memref<!tpu.dma_semaphore, #tpu.memory_space<semaphore_mem>>, %arg10: memref<!tpu.dma_semaphore, #tpu.memory_space<semaphore_mem>>, %arg11: memref<!tpu.dma_semaphore, #tpu.memory_space<semaphore_mem>>, %arg12: memref<!tpu.dma_semaphore, #tpu.memory_space<semaphore_mem>>, %arg13: memref<!tpu.dma_semaphore, #tpu.memory_space<semaphore_mem>>, %arg14: memref<!tpu.dma_semaphore, #tpu.memory_space<semaphore_mem>>) attributes {dimension_semantics = [#tpu.dimension_semantics<core_parallel>, #tpu.dimension_semantics<subcore_parallel>], iteration_bounds = array<i64: 2, 16>, scalar_prefetch = 0 : i64, scratch_operands = 10 : i64, tpu.core_type = #tpu.core_type<sc_vector_subcore>, window_params = [{transform_indices = #map}, {transform_indices = #map1}, {transform_indices = #map2}]} {
    %mul3A = arith.constant 2 : i32
    %mul3A_0 = arith.muli %arg1, %mul3A : i32
    %add3A = arith.addi %mul3A_0, %arg0 : i32
    "tpu.region"() ({
      %run_scoped3A = tpu.sem_alloc : memref<!tpu.dma_semaphore, #tpu.memory_space<semaphore_mem>>
      %dma_start3A_319 = arith.constant 0 : i32
      %dma_start3A_320 = arith.constant 0 : i32
      %dma_start3A_321 = arith.constant 0 : i32
      %dma_start3A_322 = tpu.memref_slice %arg3[%add3A, %dma_start3A_319, %dma_start3A_320, %dma_start3A_321] : memref<32x8x1x256xi32, #tpu.memory_space<hbm>> -> memref<1x8x1x256xi32, #tpu.memory_space<hbm>>
      %dma_start3A_323 = tpu.memref_squeeze %dma_start3A_322 : memref<1x8x1x256xi32, #tpu.memory_space<hbm>> -> memref<8x1x256xi32, #tpu.memory_space<hbm>>
      %dma_start3A_324 = arith.constant 0 : i32
      %dma_start3A_325 = arith.constant 0 : i32
      %dma_start3A_326 = arith.constant 0 : i32
      %dma_start3A_327 = tpu.memref_slice %arg3[%add3A, %dma_start3A_324, %dma_start3A_325, %dma_start3A_326] : memref<32x8x1x256xi32, #tpu.memory_space<hbm>> -> memref<1x8x1x256xi32, #tpu.memory_space<hbm>>
      %dma_start3A_328 = tpu.memref_squeeze %dma_start3A_327 : memref<1x8x1x256xi32, #tpu.memory_space<hbm>> -> memref<8x1x256xi32, #tpu.memory_space<hbm>>
      tpu.enqueue_dma source(%dma_start3A_328 : memref<8x1x256xi32, #tpu.memory_space<hbm>>) target(%arg5 : memref<8x1x256xi32, #tpu.memory_space<vmem>>) target_semaphore(%run_scoped3A : memref<!tpu.dma_semaphore, #tpu.memory_space<semaphore_mem>>)
      %dma_wait3A_329 = arith.constant 0 : i32
      %dma_wait3A_330 = arith.constant 0 : i32
      %dma_wait3A_331 = arith.constant 0 : i32
      %dma_wait3A_332 = tpu.memref_slice %arg3[%add3A, %dma_wait3A_329, %dma_wait3A_330, %dma_wait3A_331] : memref<32x8x1x256xi32, #tpu.memory_space<hbm>> -> memref<1x8x1x256xi32, #tpu.memory_space<hbm>>
      %dma_wait3A_333 = tpu.memref_squeeze %dma_wait3A_332 : memref<1x8x1x256xi32, #tpu.memory_space<hbm>> -> memref<8x1x256xi32, #tpu.memory_space<hbm>>
      %dma_wait3A_334 = arith.constant 0 : i32
      %dma_wait3A_335 = arith.constant 0 : i32
      %dma_wait3A_336 = arith.constant 0 : i32
      %dma_wait3A_337 = tpu.memref_slice %arg3[%add3A, %dma_wait3A_334, %dma_wait3A_335, %dma_wait3A_336] : memref<32x8x1x256xi32, #tpu.memory_space<hbm>> -> memref<1x8x1x256xi32, #tpu.memory_space<hbm>>
      %dma_wait3A_338 = tpu.memref_squeeze %dma_wait3A_337 : memref<1x8x1x256xi32, #tpu.memory_space<hbm>> -> memref<8x1x256xi32, #tpu.memory_space<hbm>>
      tpu.wait_dma2 semaphore(%run_scoped3A : memref<!tpu.dma_semaphore, #tpu.memory_space<semaphore_mem>>) src(%dma_wait3A_338 : memref<8x1x256xi32, #tpu.memory_space<hbm>>) dst(%arg5 : memref<8x1x256xi32, #tpu.memory_space<vmem>>)
      tpu.yield
    }) : () -> ()
    %dma_start3A = arith.constant 0 : i32
    %dma_start3A_1 = arith.constant 0 : i32
    %dma_start3A_2 = arith.constant 0 : i32
    %dma_start3A_3 = tpu.memref_slice %arg5[%dma_start3A, %dma_start3A_1, %dma_start3A_2] : memref<8x1x256xi32, #tpu.memory_space<vmem>> -> memref<1x1x256xi32, #tpu.memory_space<vmem>>
    %dma_start3A_4 = tpu.memref_squeeze %dma_start3A_3 : memref<1x1x256xi32, #tpu.memory_space<vmem>> -> memref<1x256xi32, #tpu.memory_space<vmem>>
    %dma_start3A_5 = arith.constant 0 : i32
    %dma_start3A_6 = arith.constant 0 : i32
    %dma_start3A_7 = arith.constant 0 : i32
    %dma_start3A_8 = tpu.memref_slice %arg2[%dma_start3A_5, %dma_start3A_6, %dma_start3A_7] : memref<1x100000x128xf32, #tpu.memory_space<hbm>> -> memref<1x100000x128xf32, #tpu.memory_space<hbm>>
    tpu.enqueue_indirect_dma source(%dma_start3A_8 : memref<1x100000x128xf32, #tpu.memory_space<hbm>>) target(%arg6 : memref<1x256x128xf32, #tpu.memory_space<vmem>>) offsets(%dma_start3A_4 : memref<1x256xi32, #tpu.memory_space<vmem>>) semaphore(%arg9 : memref<!tpu.dma_semaphore, #tpu.memory_space<semaphore_mem>>)
    %dma_start3A_9 = arith.constant 1 : i32
    %dma_start3A_10 = arith.constant 0 : i32
    %dma_start3A_11 = arith.constant 0 : i32
    %dma_start3A_12 = tpu.memref_slice %arg5[%dma_start3A_9, %dma_start3A_10, %dma_start3A_11] : memref<8x1x256xi32, #tpu.memory_space<vmem>> -> memref<1x1x256xi32, #tpu.memory_space<vmem>>
    %dma_start3A_13 = tpu.memref_squeeze %dma_start3A_12 : memref<1x1x256xi32, #tpu.memory_space<vmem>> -> memref<1x256xi32, #tpu.memory_space<vmem>>
    %dma_start3A_14 = arith.constant 0 : i32
    %dma_start3A_15 = arith.constant 0 : i32
    %dma_start3A_16 = arith.constant 0 : i32
    %dma_start3A_17 = tpu.memref_slice %arg2[%dma_start3A_14, %dma_start3A_15, %dma_start3A_16] : memref<1x100000x128xf32, #tpu.memory_space<hbm>> -> memref<1x100000x128xf32, #tpu.memory_space<hbm>>
    tpu.enqueue_indirect_dma source(%dma_start3A_17 : memref<1x100000x128xf32, #tpu.memory_space<hbm>>) target(%arg7 : memref<1x256x128xf32, #tpu.memory_space<vmem>>) offsets(%dma_start3A_13 : memref<1x256xi32, #tpu.memory_space<vmem>>) semaphore(%arg10 : memref<!tpu.dma_semaphore, #tpu.memory_space<semaphore_mem>>)
    %dma_start3A_18 = arith.constant 2 : i32
    %dma_start3A_19 = arith.constant 0 : i32
    %dma_start3A_20 = arith.constant 0 : i32
    %dma_start3A_21 = tpu.memref_slice %arg5[%dma_start3A_18, %dma_start3A_19, %dma_start3A_20] : memref<8x1x256xi32, #tpu.memory_space<vmem>> -> memref<1x1x256xi32, #tpu.memory_space<vmem>>
    %dma_start3A_22 = tpu.memref_squeeze %dma_start3A_21 : memref<1x1x256xi32, #tpu.memory_space<vmem>> -> memref<1x256xi32, #tpu.memory_space<vmem>>
    %dma_start3A_23 = arith.constant 0 : i32
    %dma_start3A_24 = arith.constant 0 : i32
    %dma_start3A_25 = arith.constant 0 : i32
    %dma_start3A_26 = tpu.memref_slice %arg2[%dma_start3A_23, %dma_start3A_24, %dma_start3A_25] : memref<1x100000x128xf32, #tpu.memory_space<hbm>> -> memref<1x100000x128xf32, #tpu.memory_space<hbm>>
    tpu.enqueue_indirect_dma source(%dma_start3A_26 : memref<1x100000x128xf32, #tpu.memory_space<hbm>>) target(%arg8 : memref<1x256x128xf32, #tpu.memory_space<vmem>>) offsets(%dma_start3A_22 : memref<1x256xi32, #tpu.memory_space<vmem>>) semaphore(%arg11 : memref<!tpu.dma_semaphore, #tpu.memory_space<semaphore_mem>>)
    %dma_wait3A = arith.constant 0 : i32
    %dma_wait3A_27 = arith.constant 0 : i32
    %dma_wait3A_28 = arith.constant 0 : i32
    %dma_wait3A_29 = tpu.memref_slice %arg5[%dma_wait3A, %dma_wait3A_27, %dma_wait3A_28] : memref<8x1x256xi32, #tpu.memory_space<vmem>> -> memref<1x1x256xi32, #tpu.memory_space<vmem>>
    %dma_wait3A_30 = tpu.memref_squeeze %dma_wait3A_29 : memref<1x1x256xi32, #tpu.memory_space<vmem>> -> memref<1x256xi32, #tpu.memory_space<vmem>>
    %dma_wait3A_31 = arith.constant 0 : i32
    %dma_wait3A_32 = arith.constant 0 : i32
    %dma_wait3A_33 = arith.constant 0 : i32
    %dma_wait3A_34 = tpu.memref_slice %arg2[%dma_wait3A_31, %dma_wait3A_32, %dma_wait3A_33] : memref<1x100000x128xf32, #tpu.memory_space<hbm>> -> memref<1x100000x128xf32, #tpu.memory_space<hbm>>
    tpu.wait_indirect_dma semaphore(%arg9 : memref<!tpu.dma_semaphore, #tpu.memory_space<semaphore_mem>>) src(%dma_wait3A_34 : memref<1x100000x128xf32, #tpu.memory_space<hbm>>) dst(%arg6 : memref<1x256x128xf32, #tpu.memory_space<vmem>>)
    %dma_start3A_35 = arith.constant 0 : i32
    %dma_start3A_36 = arith.constant 0 : i32
    %dma_start3A_37 = arith.constant 0 : i32
    %dma_start3A_38 = arith.constant 0 : i32
    %dma_start3A_39 = tpu.memref_slice %arg4[%add3A, %dma_start3A_35, %dma_start3A_36, %dma_start3A_37, %dma_start3A_38] : memref<32x8x1x256x128xf32, #tpu.memory_space<hbm>> -> memref<1x1x1x256x128xf32, #tpu.memory_space<hbm>>
    %dma_start3A_40 = tpu.memref_squeeze %dma_start3A_39 : memref<1x1x1x256x128xf32, #tpu.memory_space<hbm>> -> memref<1x256x128xf32, #tpu.memory_space<hbm>>
    %dma_start3A_41 = arith.constant 0 : i32
    %dma_start3A_42 = arith.constant 0 : i32
    %dma_start3A_43 = arith.constant 0 : i32
    %dma_start3A_44 = tpu.memref_slice %arg4[%add3A, %dma_start3A_35, %dma_start3A_41, %dma_start3A_42, %dma_start3A_43] : memref<32x8x1x256x128xf32, #tpu.memory_space<hbm>> -> memref<1x1x1x256x128xf32, #tpu.memory_space<hbm>>
    %dma_start3A_45 = tpu.memref_squeeze %dma_start3A_44 : memref<1x1x1x256x128xf32, #tpu.memory_space<hbm>> -> memref<1x256x128xf32, #tpu.memory_space<hbm>>
    tpu.enqueue_dma source(%arg6 : memref<1x256x128xf32, #tpu.memory_space<vmem>>) target(%dma_start3A_45 : memref<1x256x128xf32, #tpu.memory_space<hbm>>) target_semaphore(%arg12 : memref<!tpu.dma_semaphore, #tpu.memory_space<semaphore_mem>>)
    %dma_wait3A_46 = arith.constant 0 : i32
    %dma_wait3A_47 = arith.constant 0 : i32
    %dma_wait3A_48 = arith.constant 0 : i32
    %dma_wait3A_49 = arith.constant 0 : i32
    %dma_wait3A_50 = tpu.memref_slice %arg4[%add3A, %dma_wait3A_46, %dma_wait3A_47, %dma_wait3A_48, %dma_wait3A_49] : memref<32x8x1x256x128xf32, #tpu.memory_space<hbm>> -> memref<1x1x1x256x128xf32, #tpu.memory_space<hbm>>
    %dma_wait3A_51 = tpu.memref_squeeze %dma_wait3A_50 : memref<1x1x1x256x128xf32, #tpu.memory_space<hbm>> -> memref<1x256x128xf32, #tpu.memory_space<hbm>>
    %dma_wait3A_52 = arith.constant 0 : i32
    %dma_wait3A_53 = arith.constant 0 : i32
    %dma_wait3A_54 = arith.constant 0 : i32
    %dma_wait3A_55 = tpu.memref_slice %arg4[%add3A, %dma_wait3A_46, %dma_wait3A_52, %dma_wait3A_53, %dma_wait3A_54] : memref<32x8x1x256x128xf32, #tpu.memory_space<hbm>> -> memref<1x1x1x256x128xf32, #tpu.memory_space<hbm>>
    %dma_wait3A_56 = tpu.memref_squeeze %dma_wait3A_55 : memref<1x1x1x256x128xf32, #tpu.memory_space<hbm>> -> memref<1x256x128xf32, #tpu.memory_space<hbm>>
    tpu.wait_dma2 semaphore(%arg12 : memref<!tpu.dma_semaphore, #tpu.memory_space<semaphore_mem>>) src(%arg6 : memref<1x256x128xf32, #tpu.memory_space<vmem>>) dst(%dma_wait3A_56 : memref<1x256x128xf32, #tpu.memory_space<hbm>>)
    %dma_start3A_57 = arith.constant 3 : i32
    %dma_start3A_58 = arith.constant 0 : i32
    %dma_start3A_59 = arith.constant 0 : i32
    %dma_start3A_60 = tpu.memref_slice %arg5[%dma_start3A_57, %dma_start3A_58, %dma_start3A_59] : memref<8x1x256xi32, #tpu.memory_space<vmem>> -> memref<1x1x256xi32, #tpu.memory_space<vmem>>
    %dma_start3A_61 = tpu.memref_squeeze %dma_start3A_60 : memref<1x1x256xi32, #tpu.memory_space<vmem>> -> memref<1x256xi32, #tpu.memory_space<vmem>>
    %dma_start3A_62 = arith.constant 0 : i32
    %dma_start3A_63 = arith.constant 0 : i32
    %dma_start3A_64 = arith.constant 0 : i32
    %dma_start3A_65 = tpu.memref_slice %arg2[%dma_start3A_62, %dma_start3A_63, %dma_start3A_64] : memref<1x100000x128xf32, #tpu.memory_space<hbm>> -> memref<1x100000x128xf32, #tpu.memory_space<hbm>>
    tpu.enqueue_indirect_dma source(%dma_start3A_65 : memref<1x100000x128xf32, #tpu.memory_space<hbm>>) target(%arg6 : memref<1x256x128xf32, #tpu.memory_space<vmem>>) offsets(%dma_start3A_61 : memref<1x256xi32, #tpu.memory_space<vmem>>) semaphore(%arg9 : memref<!tpu.dma_semaphore, #tpu.memory_space<semaphore_mem>>)
    %dma_wait3A_66 = arith.constant 1 : i32
    %dma_wait3A_67 = arith.constant 0 : i32
    %dma_wait3A_68 = arith.constant 0 : i32
    %dma_wait3A_69 = tpu.memref_slice %arg5[%dma_wait3A_66, %dma_wait3A_67, %dma_wait3A_68] : memref<8x1x256xi32, #tpu.memory_space<vmem>> -> memref<1x1x256xi32, #tpu.memory_space<vmem>>
    %dma_wait3A_70 = tpu.memref_squeeze %dma_wait3A_69 : memref<1x1x256xi32, #tpu.memory_space<vmem>> -> memref<1x256xi32, #tpu.memory_space<vmem>>
    %dma_wait3A_71 = arith.constant 0 : i32
    %dma_wait3A_72 = arith.constant 0 : i32
    %dma_wait3A_73 = arith.constant 0 : i32
    %dma_wait3A_74 = tpu.memref_slice %arg2[%dma_wait3A_71, %dma_wait3A_72, %dma_wait3A_73] : memref<1x100000x128xf32, #tpu.memory_space<hbm>> -> memref<1x100000x128xf32, #tpu.memory_space<hbm>>
    tpu.wait_indirect_dma semaphore(%arg10 : memref<!tpu.dma_semaphore, #tpu.memory_space<semaphore_mem>>) src(%dma_wait3A_74 : memref<1x100000x128xf32, #tpu.memory_space<hbm>>) dst(%arg7 : memref<1x256x128xf32, #tpu.memory_space<vmem>>)
    %dma_start3A_75 = arith.constant 1 : i32
    %dma_start3A_76 = arith.constant 0 : i32
    %dma_start3A_77 = arith.constant 0 : i32
    %dma_start3A_78 = arith.constant 0 : i32
    %dma_start3A_79 = tpu.memref_slice %arg4[%add3A, %dma_start3A_75, %dma_start3A_76, %dma_start3A_77, %dma_start3A_78] : memref<32x8x1x256x128xf32, #tpu.memory_space<hbm>> -> memref<1x1x1x256x128xf32, #tpu.memory_space<hbm>>
    %dma_start3A_80 = tpu.memref_squeeze %dma_start3A_79 : memref<1x1x1x256x128xf32, #tpu.memory_space<hbm>> -> memref<1x256x128xf32, #tpu.memory_space<hbm>>
    %dma_start3A_81 = arith.constant 0 : i32
    %dma_start3A_82 = arith.constant 0 : i32
    %dma_start3A_83 = arith.constant 0 : i32
    %dma_start3A_84 = tpu.memref_slice %arg4[%add3A, %dma_start3A_75, %dma_start3A_81, %dma_start3A_82, %dma_start3A_83] : memref<32x8x1x256x128xf32, #tpu.memory_space<hbm>> -> memref<1x1x1x256x128xf32, #tpu.memory_space<hbm>>
    %dma_start3A_85 = tpu.memref_squeeze %dma_start3A_84 : memref<1x1x1x256x128xf32, #tpu.memory_space<hbm>> -> memref<1x256x128xf32, #tpu.memory_space<hbm>>
    tpu.enqueue_dma source(%arg7 : memref<1x256x128xf32, #tpu.memory_space<vmem>>) target(%dma_start3A_85 : memref<1x256x128xf32, #tpu.memory_space<hbm>>) target_semaphore(%arg13 : memref<!tpu.dma_semaphore, #tpu.memory_space<semaphore_mem>>)
    %dma_wait3A_86 = arith.constant 1 : i32
    %dma_wait3A_87 = arith.constant 0 : i32
    %dma_wait3A_88 = arith.constant 0 : i32
    %dma_wait3A_89 = arith.constant 0 : i32
    %dma_wait3A_90 = tpu.memref_slice %arg4[%add3A, %dma_wait3A_86, %dma_wait3A_87, %dma_wait3A_88, %dma_wait3A_89] : memref<32x8x1x256x128xf32, #tpu.memory_space<hbm>> -> memref<1x1x1x256x128xf32, #tpu.memory_space<hbm>>
    %dma_wait3A_91 = tpu.memref_squeeze %dma_wait3A_90 : memref<1x1x1x256x128xf32, #tpu.memory_space<hbm>> -> memref<1x256x128xf32, #tpu.memory_space<hbm>>
    %dma_wait3A_92 = arith.constant 0 : i32
    %dma_wait3A_93 = arith.constant 0 : i32
    %dma_wait3A_94 = arith.constant 0 : i32
    %dma_wait3A_95 = tpu.memref_slice %arg4[%add3A, %dma_wait3A_86, %dma_wait3A_92, %dma_wait3A_93, %dma_wait3A_94] : memref<32x8x1x256x128xf32, #tpu.memory_space<hbm>> -> memref<1x1x1x256x128xf32, #tpu.memory_space<hbm>>
    %dma_wait3A_96 = tpu.memref_squeeze %dma_wait3A_95 : memref<1x1x1x256x128xf32, #tpu.memory_space<hbm>> -> memref<1x256x128xf32, #tpu.memory_space<hbm>>
    tpu.wait_dma2 semaphore(%arg13 : memref<!tpu.dma_semaphore, #tpu.memory_space<semaphore_mem>>) src(%arg7 : memref<1x256x128xf32, #tpu.memory_space<vmem>>) dst(%dma_wait3A_96 : memref<1x256x128xf32, #tpu.memory_space<hbm>>)
    %dma_start3A_97 = arith.constant 4 : i32
    %dma_start3A_98 = arith.constant 0 : i32
    %dma_start3A_99 = arith.constant 0 : i32
    %dma_start3A_100 = tpu.memref_slice %arg5[%dma_start3A_97, %dma_start3A_98, %dma_start3A_99] : memref<8x1x256xi32, #tpu.memory_space<vmem>> -> memref<1x1x256xi32, #tpu.memory_space<vmem>>
    %dma_start3A_101 = tpu.memref_squeeze %dma_start3A_100 : memref<1x1x256xi32, #tpu.memory_space<vmem>> -> memref<1x256xi32, #tpu.memory_space<vmem>>
    %dma_start3A_102 = arith.constant 0 : i32
    %dma_start3A_103 = arith.constant 0 : i32
    %dma_start3A_104 = arith.constant 0 : i32
    %dma_start3A_105 = tpu.memref_slice %arg2[%dma_start3A_102, %dma_start3A_103, %dma_start3A_104] : memref<1x100000x128xf32, #tpu.memory_space<hbm>> -> memref<1x100000x128xf32, #tpu.memory_space<hbm>>
    tpu.enqueue_indirect_dma source(%dma_start3A_105 : memref<1x100000x128xf32, #tpu.memory_space<hbm>>) target(%arg7 : memref<1x256x128xf32, #tpu.memory_space<vmem>>) offsets(%dma_start3A_101 : memref<1x256xi32, #tpu.memory_space<vmem>>) semaphore(%arg10 : memref<!tpu.dma_semaphore, #tpu.memory_space<semaphore_mem>>)
    %dma_wait3A_106 = arith.constant 2 : i32
    %dma_wait3A_107 = arith.constant 0 : i32
    %dma_wait3A_108 = arith.constant 0 : i32
    %dma_wait3A_109 = tpu.memref_slice %arg5[%dma_wait3A_106, %dma_wait3A_107, %dma_wait3A_108] : memref<8x1x256xi32, #tpu.memory_space<vmem>> -> memref<1x1x256xi32, #tpu.memory_space<vmem>>
    %dma_wait3A_110 = tpu.memref_squeeze %dma_wait3A_109 : memref<1x1x256xi32, #tpu.memory_space<vmem>> -> memref<1x256xi32, #tpu.memory_space<vmem>>
    %dma_wait3A_111 = arith.constant 0 : i32
    %dma_wait3A_112 = arith.constant 0 : i32
    %dma_wait3A_113 = arith.constant 0 : i32
    %dma_wait3A_114 = tpu.memref_slice %arg2[%dma_wait3A_111, %dma_wait3A_112, %dma_wait3A_113] : memref<1x100000x128xf32, #tpu.memory_space<hbm>> -> memref<1x100000x128xf32, #tpu.memory_space<hbm>>
    tpu.wait_indirect_dma semaphore(%arg11 : memref<!tpu.dma_semaphore, #tpu.memory_space<semaphore_mem>>) src(%dma_wait3A_114 : memref<1x100000x128xf32, #tpu.memory_space<hbm>>) dst(%arg8 : memref<1x256x128xf32, #tpu.memory_space<vmem>>)
    %dma_start3A_115 = arith.constant 2 : i32
    %dma_start3A_116 = arith.constant 0 : i32
    %dma_start3A_117 = arith.constant 0 : i32
    %dma_start3A_118 = arith.constant 0 : i32
    %dma_start3A_119 = tpu.memref_slice %arg4[%add3A, %dma_start3A_115, %dma_start3A_116, %dma_start3A_117, %dma_start3A_118] : memref<32x8x1x256x128xf32, #tpu.memory_space<hbm>> -> memref<1x1x1x256x128xf32, #tpu.memory_space<hbm>>
    %dma_start3A_120 = tpu.memref_squeeze %dma_start3A_119 : memref<1x1x1x256x128xf32, #tpu.memory_space<hbm>> -> memref<1x256x128xf32, #tpu.memory_space<hbm>>
    %dma_start3A_121 = arith.constant 0 : i32
    %dma_start3A_122 = arith.constant 0 : i32
    %dma_start3A_123 = arith.constant 0 : i32
    %dma_start3A_124 = tpu.memref_slice %arg4[%add3A, %dma_start3A_115, %dma_start3A_121, %dma_start3A_122, %dma_start3A_123] : memref<32x8x1x256x128xf32, #tpu.memory_space<hbm>> -> memref<1x1x1x256x128xf32, #tpu.memory_space<hbm>>
    %dma_start3A_125 = tpu.memref_squeeze %dma_start3A_124 : memref<1x1x1x256x128xf32, #tpu.memory_space<hbm>> -> memref<1x256x128xf32, #tpu.memory_space<hbm>>
    tpu.enqueue_dma source(%arg8 : memref<1x256x128xf32, #tpu.memory_space<vmem>>) target(%dma_start3A_125 : memref<1x256x128xf32, #tpu.memory_space<hbm>>) target_semaphore(%arg14 : memref<!tpu.dma_semaphore, #tpu.memory_space<semaphore_mem>>)
    %dma_wait3A_126 = arith.constant 2 : i32
    %dma_wait3A_127 = arith.constant 0 : i32
    %dma_wait3A_128 = arith.constant 0 : i32
    %dma_wait3A_129 = arith.constant 0 : i32
    %dma_wait3A_130 = tpu.memref_slice %arg4[%add3A, %dma_wait3A_126, %dma_wait3A_127, %dma_wait3A_128, %dma_wait3A_129] : memref<32x8x1x256x128xf32, #tpu.memory_space<hbm>> -> memref<1x1x1x256x128xf32, #tpu.memory_space<hbm>>
    %dma_wait3A_131 = tpu.memref_squeeze %dma_wait3A_130 : memref<1x1x1x256x128xf32, #tpu.memory_space<hbm>> -> memref<1x256x128xf32, #tpu.memory_space<hbm>>
    %dma_wait3A_132 = arith.constant 0 : i32
    %dma_wait3A_133 = arith.constant 0 : i32
    %dma_wait3A_134 = arith.constant 0 : i32
    %dma_wait3A_135 = tpu.memref_slice %arg4[%add3A, %dma_wait3A_126, %dma_wait3A_132, %dma_wait3A_133, %dma_wait3A_134] : memref<32x8x1x256x128xf32, #tpu.memory_space<hbm>> -> memref<1x1x1x256x128xf32, #tpu.memory_space<hbm>>
    %dma_wait3A_136 = tpu.memref_squeeze %dma_wait3A_135 : memref<1x1x1x256x128xf32, #tpu.memory_space<hbm>> -> memref<1x256x128xf32, #tpu.memory_space<hbm>>
    tpu.wait_dma2 semaphore(%arg14 : memref<!tpu.dma_semaphore, #tpu.memory_space<semaphore_mem>>) src(%arg8 : memref<1x256x128xf32, #tpu.memory_space<vmem>>) dst(%dma_wait3A_136 : memref<1x256x128xf32, #tpu.memory_space<hbm>>)
    %dma_start3A_137 = arith.constant 5 : i32
    %dma_start3A_138 = arith.constant 0 : i32
    %dma_start3A_139 = arith.constant 0 : i32
    %dma_start3A_140 = tpu.memref_slice %arg5[%dma_start3A_137, %dma_start3A_138, %dma_start3A_139] : memref<8x1x256xi32, #tpu.memory_space<vmem>> -> memref<1x1x256xi32, #tpu.memory_space<vmem>>
    %dma_start3A_141 = tpu.memref_squeeze %dma_start3A_140 : memref<1x1x256xi32, #tpu.memory_space<vmem>> -> memref<1x256xi32, #tpu.memory_space<vmem>>
    %dma_start3A_142 = arith.constant 0 : i32
    %dma_start3A_143 = arith.constant 0 : i32
    %dma_start3A_144 = arith.constant 0 : i32
    %dma_start3A_145 = tpu.memref_slice %arg2[%dma_start3A_142, %dma_start3A_143, %dma_start3A_144] : memref<1x100000x128xf32, #tpu.memory_space<hbm>> -> memref<1x100000x128xf32, #tpu.memory_space<hbm>>
    tpu.enqueue_indirect_dma source(%dma_start3A_145 : memref<1x100000x128xf32, #tpu.memory_space<hbm>>) target(%arg8 : memref<1x256x128xf32, #tpu.memory_space<vmem>>) offsets(%dma_start3A_141 : memref<1x256xi32, #tpu.memory_space<vmem>>) semaphore(%arg11 : memref<!tpu.dma_semaphore, #tpu.memory_space<semaphore_mem>>)
    %dma_wait3A_146 = arith.constant 3 : i32
    %dma_wait3A_147 = arith.constant 0 : i32
    %dma_wait3A_148 = arith.constant 0 : i32
    %dma_wait3A_149 = tpu.memref_slice %arg5[%dma_wait3A_146, %dma_wait3A_147, %dma_wait3A_148] : memref<8x1x256xi32, #tpu.memory_space<vmem>> -> memref<1x1x256xi32, #tpu.memory_space<vmem>>
    %dma_wait3A_150 = tpu.memref_squeeze %dma_wait3A_149 : memref<1x1x256xi32, #tpu.memory_space<vmem>> -> memref<1x256xi32, #tpu.memory_space<vmem>>
    %dma_wait3A_151 = arith.constant 0 : i32
    %dma_wait3A_152 = arith.constant 0 : i32
    %dma_wait3A_153 = arith.constant 0 : i32
    %dma_wait3A_154 = tpu.memref_slice %arg2[%dma_wait3A_151, %dma_wait3A_152, %dma_wait3A_153] : memref<1x100000x128xf32, #tpu.memory_space<hbm>> -> memref<1x100000x128xf32, #tpu.memory_space<hbm>>
    tpu.wait_indirect_dma semaphore(%arg9 : memref<!tpu.dma_semaphore, #tpu.memory_space<semaphore_mem>>) src(%dma_wait3A_154 : memref<1x100000x128xf32, #tpu.memory_space<hbm>>) dst(%arg6 : memref<1x256x128xf32, #tpu.memory_space<vmem>>)
    %dma_start3A_155 = arith.constant 3 : i32
    %dma_start3A_156 = arith.constant 0 : i32
    %dma_start3A_157 = arith.constant 0 : i32
    %dma_start3A_158 = arith.constant 0 : i32
    %dma_start3A_159 = tpu.memref_slice %arg4[%add3A, %dma_start3A_155, %dma_start3A_156, %dma_start3A_157, %dma_start3A_158] : memref<32x8x1x256x128xf32, #tpu.memory_space<hbm>> -> memref<1x1x1x256x128xf32, #tpu.memory_space<hbm>>
    %dma_start3A_160 = tpu.memref_squeeze %dma_start3A_159 : memref<1x1x1x256x128xf32, #tpu.memory_space<hbm>> -> memref<1x256x128xf32, #tpu.memory_space<hbm>>
    %dma_start3A_161 = arith.constant 0 : i32
    %dma_start3A_162 = arith.constant 0 : i32
    %dma_start3A_163 = arith.constant 0 : i32
    %dma_start3A_164 = tpu.memref_slice %arg4[%add3A, %dma_start3A_155, %dma_start3A_161, %dma_start3A_162, %dma_start3A_163] : memref<32x8x1x256x128xf32, #tpu.memory_space<hbm>> -> memref<1x1x1x256x128xf32, #tpu.memory_space<hbm>>
    %dma_start3A_165 = tpu.memref_squeeze %dma_start3A_164 : memref<1x1x1x256x128xf32, #tpu.memory_space<hbm>> -> memref<1x256x128xf32, #tpu.memory_space<hbm>>
    tpu.enqueue_dma source(%arg6 : memref<1x256x128xf32, #tpu.memory_space<vmem>>) target(%dma_start3A_165 : memref<1x256x128xf32, #tpu.memory_space<hbm>>) target_semaphore(%arg12 : memref<!tpu.dma_semaphore, #tpu.memory_space<semaphore_mem>>)
    %dma_wait3A_166 = arith.constant 3 : i32
    %dma_wait3A_167 = arith.constant 0 : i32
    %dma_wait3A_168 = arith.constant 0 : i32
    %dma_wait3A_169 = arith.constant 0 : i32
    %dma_wait3A_170 = tpu.memref_slice %arg4[%add3A, %dma_wait3A_166, %dma_wait3A_167, %dma_wait3A_168, %dma_wait3A_169] : memref<32x8x1x256x128xf32, #tpu.memory_space<hbm>> -> memref<1x1x1x256x128xf32, #tpu.memory_space<hbm>>
    %dma_wait3A_171 = tpu.memref_squeeze %dma_wait3A_170 : memref<1x1x1x256x128xf32, #tpu.memory_space<hbm>> -> memref<1x256x128xf32, #tpu.memory_space<hbm>>
    %dma_wait3A_172 = arith.constant 0 : i32
    %dma_wait3A_173 = arith.constant 0 : i32
    %dma_wait3A_174 = arith.constant 0 : i32
    %dma_wait3A_175 = tpu.memref_slice %arg4[%add3A, %dma_wait3A_166, %dma_wait3A_172, %dma_wait3A_173, %dma_wait3A_174] : memref<32x8x1x256x128xf32, #tpu.memory_space<hbm>> -> memref<1x1x1x256x128xf32, #tpu.memory_space<hbm>>
    %dma_wait3A_176 = tpu.memref_squeeze %dma_wait3A_175 : memref<1x1x1x256x128xf32, #tpu.memory_space<hbm>> -> memref<1x256x128xf32, #tpu.memory_space<hbm>>
    tpu.wait_dma2 semaphore(%arg12 : memref<!tpu.dma_semaphore, #tpu.memory_space<semaphore_mem>>) src(%arg6 : memref<1x256x128xf32, #tpu.memory_space<vmem>>) dst(%dma_wait3A_176 : memref<1x256x128xf32, #tpu.memory_space<hbm>>)
    %dma_start3A_177 = arith.constant 6 : i32
    %dma_start3A_178 = arith.constant 0 : i32
    %dma_start3A_179 = arith.constant 0 : i32
    %dma_start3A_180 = tpu.memref_slice %arg5[%dma_start3A_177, %dma_start3A_178, %dma_start3A_179] : memref<8x1x256xi32, #tpu.memory_space<vmem>> -> memref<1x1x256xi32, #tpu.memory_space<vmem>>
    %dma_start3A_181 = tpu.memref_squeeze %dma_start3A_180 : memref<1x1x256xi32, #tpu.memory_space<vmem>> -> memref<1x256xi32, #tpu.memory_space<vmem>>
    %dma_start3A_182 = arith.constant 0 : i32
    %dma_start3A_183 = arith.constant 0 : i32
    %dma_start3A_184 = arith.constant 0 : i32
    %dma_start3A_185 = tpu.memref_slice %arg2[%dma_start3A_182, %dma_start3A_183, %dma_start3A_184] : memref<1x100000x128xf32, #tpu.memory_space<hbm>> -> memref<1x100000x128xf32, #tpu.memory_space<hbm>>
    tpu.enqueue_indirect_dma source(%dma_start3A_185 : memref<1x100000x128xf32, #tpu.memory_space<hbm>>) target(%arg6 : memref<1x256x128xf32, #tpu.memory_space<vmem>>) offsets(%dma_start3A_181 : memref<1x256xi32, #tpu.memory_space<vmem>>) semaphore(%arg9 : memref<!tpu.dma_semaphore, #tpu.memory_space<semaphore_mem>>)
    %dma_wait3A_186 = arith.constant 4 : i32
    %dma_wait3A_187 = arith.constant 0 : i32
    %dma_wait3A_188 = arith.constant 0 : i32
    %dma_wait3A_189 = tpu.memref_slice %arg5[%dma_wait3A_186, %dma_wait3A_187, %dma_wait3A_188] : memref<8x1x256xi32, #tpu.memory_space<vmem>> -> memref<1x1x256xi32, #tpu.memory_space<vmem>>
    %dma_wait3A_190 = tpu.memref_squeeze %dma_wait3A_189 : memref<1x1x256xi32, #tpu.memory_space<vmem>> -> memref<1x256xi32, #tpu.memory_space<vmem>>
    %dma_wait3A_191 = arith.constant 0 : i32
    %dma_wait3A_192 = arith.constant 0 : i32
    %dma_wait3A_193 = arith.constant 0 : i32
    %dma_wait3A_194 = tpu.memref_slice %arg2[%dma_wait3A_191, %dma_wait3A_192, %dma_wait3A_193] : memref<1x100000x128xf32, #tpu.memory_space<hbm>> -> memref<1x100000x128xf32, #tpu.memory_space<hbm>>
    tpu.wait_indirect_dma semaphore(%arg10 : memref<!tpu.dma_semaphore, #tpu.memory_space<semaphore_mem>>) src(%dma_wait3A_194 : memref<1x100000x128xf32, #tpu.memory_space<hbm>>) dst(%arg7 : memref<1x256x128xf32, #tpu.memory_space<vmem>>)
    %dma_start3A_195 = arith.constant 4 : i32
    %dma_start3A_196 = arith.constant 0 : i32
    %dma_start3A_197 = arith.constant 0 : i32
    %dma_start3A_198 = arith.constant 0 : i32
    %dma_start3A_199 = tpu.memref_slice %arg4[%add3A, %dma_start3A_195, %dma_start3A_196, %dma_start3A_197, %dma_start3A_198] : memref<32x8x1x256x128xf32, #tpu.memory_space<hbm>> -> memref<1x1x1x256x128xf32, #tpu.memory_space<hbm>>
    %dma_start3A_200 = tpu.memref_squeeze %dma_start3A_199 : memref<1x1x1x256x128xf32, #tpu.memory_space<hbm>> -> memref<1x256x128xf32, #tpu.memory_space<hbm>>
    %dma_start3A_201 = arith.constant 0 : i32
    %dma_start3A_202 = arith.constant 0 : i32
    %dma_start3A_203 = arith.constant 0 : i32
    %dma_start3A_204 = tpu.memref_slice %arg4[%add3A, %dma_start3A_195, %dma_start3A_201, %dma_start3A_202, %dma_start3A_203] : memref<32x8x1x256x128xf32, #tpu.memory_space<hbm>> -> memref<1x1x1x256x128xf32, #tpu.memory_space<hbm>>
    %dma_start3A_205 = tpu.memref_squeeze %dma_start3A_204 : memref<1x1x1x256x128xf32, #tpu.memory_space<hbm>> -> memref<1x256x128xf32, #tpu.memory_space<hbm>>
    tpu.enqueue_dma source(%arg7 : memref<1x256x128xf32, #tpu.memory_space<vmem>>) target(%dma_start3A_205 : memref<1x256x128xf32, #tpu.memory_space<hbm>>) target_semaphore(%arg13 : memref<!tpu.dma_semaphore, #tpu.memory_space<semaphore_mem>>)
    %dma_wait3A_206 = arith.constant 4 : i32
    %dma_wait3A_207 = arith.constant 0 : i32
    %dma_wait3A_208 = arith.constant 0 : i32
    %dma_wait3A_209 = arith.constant 0 : i32
    %dma_wait3A_210 = tpu.memref_slice %arg4[%add3A, %dma_wait3A_206, %dma_wait3A_207, %dma_wait3A_208, %dma_wait3A_209] : memref<32x8x1x256x128xf32, #tpu.memory_space<hbm>> -> memref<1x1x1x256x128xf32, #tpu.memory_space<hbm>>
    %dma_wait3A_211 = tpu.memref_squeeze %dma_wait3A_210 : memref<1x1x1x256x128xf32, #tpu.memory_space<hbm>> -> memref<1x256x128xf32, #tpu.memory_space<hbm>>
    %dma_wait3A_212 = arith.constant 0 : i32
    %dma_wait3A_213 = arith.constant 0 : i32
    %dma_wait3A_214 = arith.constant 0 : i32
    %dma_wait3A_215 = tpu.memref_slice %arg4[%add3A, %dma_wait3A_206, %dma_wait3A_212, %dma_wait3A_213, %dma_wait3A_214] : memref<32x8x1x256x128xf32, #tpu.memory_space<hbm>> -> memref<1x1x1x256x128xf32, #tpu.memory_space<hbm>>
    %dma_wait3A_216 = tpu.memref_squeeze %dma_wait3A_215 : memref<1x1x1x256x128xf32, #tpu.memory_space<hbm>> -> memref<1x256x128xf32, #tpu.memory_space<hbm>>
    tpu.wait_dma2 semaphore(%arg13 : memref<!tpu.dma_semaphore, #tpu.memory_space<semaphore_mem>>) src(%arg7 : memref<1x256x128xf32, #tpu.memory_space<vmem>>) dst(%dma_wait3A_216 : memref<1x256x128xf32, #tpu.memory_space<hbm>>)
    %dma_start3A_217 = arith.constant 7 : i32
    %dma_start3A_218 = arith.constant 0 : i32
    %dma_start3A_219 = arith.constant 0 : i32
    %dma_start3A_220 = tpu.memref_slice %arg5[%dma_start3A_217, %dma_start3A_218, %dma_start3A_219] : memref<8x1x256xi32, #tpu.memory_space<vmem>> -> memref<1x1x256xi32, #tpu.memory_space<vmem>>
    %dma_start3A_221 = tpu.memref_squeeze %dma_start3A_220 : memref<1x1x256xi32, #tpu.memory_space<vmem>> -> memref<1x256xi32, #tpu.memory_space<vmem>>
    %dma_start3A_222 = arith.constant 0 : i32
    %dma_start3A_223 = arith.constant 0 : i32
    %dma_start3A_224 = arith.constant 0 : i32
    %dma_start3A_225 = tpu.memref_slice %arg2[%dma_start3A_222, %dma_start3A_223, %dma_start3A_224] : memref<1x100000x128xf32, #tpu.memory_space<hbm>> -> memref<1x100000x128xf32, #tpu.memory_space<hbm>>
    tpu.enqueue_indirect_dma source(%dma_start3A_225 : memref<1x100000x128xf32, #tpu.memory_space<hbm>>) target(%arg7 : memref<1x256x128xf32, #tpu.memory_space<vmem>>) offsets(%dma_start3A_221 : memref<1x256xi32, #tpu.memory_space<vmem>>) semaphore(%arg10 : memref<!tpu.dma_semaphore, #tpu.memory_space<semaphore_mem>>)
    %dma_wait3A_226 = arith.constant 5 : i32
    %dma_wait3A_227 = arith.constant 0 : i32
    %dma_wait3A_228 = arith.constant 0 : i32
    %dma_wait3A_229 = tpu.memref_slice %arg5[%dma_wait3A_226, %dma_wait3A_227, %dma_wait3A_228] : memref<8x1x256xi32, #tpu.memory_space<vmem>> -> memref<1x1x256xi32, #tpu.memory_space<vmem>>
    %dma_wait3A_230 = tpu.memref_squeeze %dma_wait3A_229 : memref<1x1x256xi32, #tpu.memory_space<vmem>> -> memref<1x256xi32, #tpu.memory_space<vmem>>
    %dma_wait3A_231 = arith.constant 0 : i32
    %dma_wait3A_232 = arith.constant 0 : i32
    %dma_wait3A_233 = arith.constant 0 : i32
    %dma_wait3A_234 = tpu.memref_slice %arg2[%dma_wait3A_231, %dma_wait3A_232, %dma_wait3A_233] : memref<1x100000x128xf32, #tpu.memory_space<hbm>> -> memref<1x100000x128xf32, #tpu.memory_space<hbm>>
    tpu.wait_indirect_dma semaphore(%arg11 : memref<!tpu.dma_semaphore, #tpu.memory_space<semaphore_mem>>) src(%dma_wait3A_234 : memref<1x100000x128xf32, #tpu.memory_space<hbm>>) dst(%arg8 : memref<1x256x128xf32, #tpu.memory_space<vmem>>)
    %dma_start3A_235 = arith.constant 5 : i32
    %dma_start3A_236 = arith.constant 0 : i32
    %dma_start3A_237 = arith.constant 0 : i32
    %dma_start3A_238 = arith.constant 0 : i32
    %dma_start3A_239 = tpu.memref_slice %arg4[%add3A, %dma_start3A_235, %dma_start3A_236, %dma_start3A_237, %dma_start3A_238] : memref<32x8x1x256x128xf32, #tpu.memory_space<hbm>> -> memref<1x1x1x256x128xf32, #tpu.memory_space<hbm>>
    %dma_start3A_240 = tpu.memref_squeeze %dma_start3A_239 : memref<1x1x1x256x128xf32, #tpu.memory_space<hbm>> -> memref<1x256x128xf32, #tpu.memory_space<hbm>>
    %dma_start3A_241 = arith.constant 0 : i32
    %dma_start3A_242 = arith.constant 0 : i32
    %dma_start3A_243 = arith.constant 0 : i32
    %dma_start3A_244 = tpu.memref_slice %arg4[%add3A, %dma_start3A_235, %dma_start3A_241, %dma_start3A_242, %dma_start3A_243] : memref<32x8x1x256x128xf32, #tpu.memory_space<hbm>> -> memref<1x1x1x256x128xf32, #tpu.memory_space<hbm>>
    %dma_start3A_245 = tpu.memref_squeeze %dma_start3A_244 : memref<1x1x1x256x128xf32, #tpu.memory_space<hbm>> -> memref<1x256x128xf32, #tpu.memory_space<hbm>>
    tpu.enqueue_dma source(%arg8 : memref<1x256x128xf32, #tpu.memory_space<vmem>>) target(%dma_start3A_245 : memref<1x256x128xf32, #tpu.memory_space<hbm>>) target_semaphore(%arg14 : memref<!tpu.dma_semaphore, #tpu.memory_space<semaphore_mem>>)
    %dma_wait3A_246 = arith.constant 6 : i32
    %dma_wait3A_247 = arith.constant 0 : i32
    %dma_wait3A_248 = arith.constant 0 : i32
    %dma_wait3A_249 = tpu.memref_slice %arg5[%dma_wait3A_246, %dma_wait3A_247, %dma_wait3A_248] : memref<8x1x256xi32, #tpu.memory_space<vmem>> -> memref<1x1x256xi32, #tpu.memory_space<vmem>>
    %dma_wait3A_250 = tpu.memref_squeeze %dma_wait3A_249 : memref<1x1x256xi32, #tpu.memory_space<vmem>> -> memref<1x256xi32, #tpu.memory_space<vmem>>
    %dma_wait3A_251 = arith.constant 0 : i32
    %dma_wait3A_252 = arith.constant 0 : i32
    %dma_wait3A_253 = arith.constant 0 : i32
    %dma_wait3A_254 = tpu.memref_slice %arg2[%dma_wait3A_251, %dma_wait3A_252, %dma_wait3A_253] : memref<1x100000x128xf32, #tpu.memory_space<hbm>> -> memref<1x100000x128xf32, #tpu.memory_space<hbm>>
    tpu.wait_indirect_dma semaphore(%arg9 : memref<!tpu.dma_semaphore, #tpu.memory_space<semaphore_mem>>) src(%dma_wait3A_254 : memref<1x100000x128xf32, #tpu.memory_space<hbm>>) dst(%arg6 : memref<1x256x128xf32, #tpu.memory_space<vmem>>)
    %dma_start3A_255 = arith.constant 6 : i32
    %dma_start3A_256 = arith.constant 0 : i32
    %dma_start3A_257 = arith.constant 0 : i32
    %dma_start3A_258 = arith.constant 0 : i32
    %dma_start3A_259 = tpu.memref_slice %arg4[%add3A, %dma_start3A_255, %dma_start3A_256, %dma_start3A_257, %dma_start3A_258] : memref<32x8x1x256x128xf32, #tpu.memory_space<hbm>> -> memref<1x1x1x256x128xf32, #tpu.memory_space<hbm>>
    %dma_start3A_260 = tpu.memref_squeeze %dma_start3A_259 : memref<1x1x1x256x128xf32, #tpu.memory_space<hbm>> -> memref<1x256x128xf32, #tpu.memory_space<hbm>>
    %dma_start3A_261 = arith.constant 0 : i32
    %dma_start3A_262 = arith.constant 0 : i32
    %dma_start3A_263 = arith.constant 0 : i32
    %dma_start3A_264 = tpu.memref_slice %arg4[%add3A, %dma_start3A_255, %dma_start3A_261, %dma_start3A_262, %dma_start3A_263] : memref<32x8x1x256x128xf32, #tpu.memory_space<hbm>> -> memref<1x1x1x256x128xf32, #tpu.memory_space<hbm>>
    %dma_start3A_265 = tpu.memref_squeeze %dma_start3A_264 : memref<1x1x1x256x128xf32, #tpu.memory_space<hbm>> -> memref<1x256x128xf32, #tpu.memory_space<hbm>>
    tpu.enqueue_dma source(%arg6 : memref<1x256x128xf32, #tpu.memory_space<vmem>>) target(%dma_start3A_265 : memref<1x256x128xf32, #tpu.memory_space<hbm>>) target_semaphore(%arg12 : memref<!tpu.dma_semaphore, #tpu.memory_space<semaphore_mem>>)
    %dma_wait3A_266 = arith.constant 7 : i32
    %dma_wait3A_267 = arith.constant 0 : i32
    %dma_wait3A_268 = arith.constant 0 : i32
    %dma_wait3A_269 = tpu.memref_slice %arg5[%dma_wait3A_266, %dma_wait3A_267, %dma_wait3A_268] : memref<8x1x256xi32, #tpu.memory_space<vmem>> -> memref<1x1x256xi32, #tpu.memory_space<vmem>>
    %dma_wait3A_270 = tpu.memref_squeeze %dma_wait3A_269 : memref<1x1x256xi32, #tpu.memory_space<vmem>> -> memref<1x256xi32, #tpu.memory_space<vmem>>
    %dma_wait3A_271 = arith.constant 0 : i32
    %dma_wait3A_272 = arith.constant 0 : i32
    %dma_wait3A_273 = arith.constant 0 : i32
    %dma_wait3A_274 = tpu.memref_slice %arg2[%dma_wait3A_271, %dma_wait3A_272, %dma_wait3A_273] : memref<1x100000x128xf32, #tpu.memory_space<hbm>> -> memref<1x100000x128xf32, #tpu.memory_space<hbm>>
    tpu.wait_indirect_dma semaphore(%arg10 : memref<!tpu.dma_semaphore, #tpu.memory_space<semaphore_mem>>) src(%dma_wait3A_274 : memref<1x100000x128xf32, #tpu.memory_space<hbm>>) dst(%arg7 : memref<1x256x128xf32, #tpu.memory_space<vmem>>)
    %dma_start3A_275 = arith.constant 7 : i32
    %dma_start3A_276 = arith.constant 0 : i32
    %dma_start3A_277 = arith.constant 0 : i32
    %dma_start3A_278 = arith.constant 0 : i32
    %dma_start3A_279 = tpu.memref_slice %arg4[%add3A, %dma_start3A_275, %dma_start3A_276, %dma_start3A_277, %dma_start3A_278] : memref<32x8x1x256x128xf32, #tpu.memory_space<hbm>> -> memref<1x1x1x256x128xf32, #tpu.memory_space<hbm>>
    %dma_start3A_280 = tpu.memref_squeeze %dma_start3A_279 : memref<1x1x1x256x128xf32, #tpu.memory_space<hbm>> -> memref<1x256x128xf32, #tpu.memory_space<hbm>>
    %dma_start3A_281 = arith.constant 0 : i32
    %dma_start3A_282 = arith.constant 0 : i32
    %dma_start3A_283 = arith.constant 0 : i32
    %dma_start3A_284 = tpu.memref_slice %arg4[%add3A, %dma_start3A_275, %dma_start3A_281, %dma_start3A_282, %dma_start3A_283] : memref<32x8x1x256x128xf32, #tpu.memory_space<hbm>> -> memref<1x1x1x256x128xf32, #tpu.memory_space<hbm>>
    %dma_start3A_285 = tpu.memref_squeeze %dma_start3A_284 : memref<1x1x1x256x128xf32, #tpu.memory_space<hbm>> -> memref<1x256x128xf32, #tpu.memory_space<hbm>>
    tpu.enqueue_dma source(%arg7 : memref<1x256x128xf32, #tpu.memory_space<vmem>>) target(%dma_start3A_285 : memref<1x256x128xf32, #tpu.memory_space<hbm>>) target_semaphore(%arg13 : memref<!tpu.dma_semaphore, #tpu.memory_space<semaphore_mem>>)
    %dma_wait3A_286 = arith.constant 6 : i32
    %dma_wait3A_287 = arith.constant 0 : i32
    %dma_wait3A_288 = arith.constant 0 : i32
    %dma_wait3A_289 = arith.constant 0 : i32
    %dma_wait3A_290 = tpu.memref_slice %arg4[%add3A, %dma_wait3A_286, %dma_wait3A_287, %dma_wait3A_288, %dma_wait3A_289] : memref<32x8x1x256x128xf32, #tpu.memory_space<hbm>> -> memref<1x1x1x256x128xf32, #tpu.memory_space<hbm>>
    %dma_wait3A_291 = tpu.memref_squeeze %dma_wait3A_290 : memref<1x1x1x256x128xf32, #tpu.memory_space<hbm>> -> memref<1x256x128xf32, #tpu.memory_space<hbm>>
    %dma_wait3A_292 = arith.constant 0 : i32
    %dma_wait3A_293 = arith.constant 0 : i32
    %dma_wait3A_294 = arith.constant 0 : i32
    %dma_wait3A_295 = tpu.memref_slice %arg4[%add3A, %dma_wait3A_286, %dma_wait3A_292, %dma_wait3A_293, %dma_wait3A_294] : memref<32x8x1x256x128xf32, #tpu.memory_space<hbm>> -> memref<1x1x1x256x128xf32, #tpu.memory_space<hbm>>
    %dma_wait3A_296 = tpu.memref_squeeze %dma_wait3A_295 : memref<1x1x1x256x128xf32, #tpu.memory_space<hbm>> -> memref<1x256x128xf32, #tpu.memory_space<hbm>>
    tpu.wait_dma2 semaphore(%arg12 : memref<!tpu.dma_semaphore, #tpu.memory_space<semaphore_mem>>) src(%arg6 : memref<1x256x128xf32, #tpu.memory_space<vmem>>) dst(%dma_wait3A_296 : memref<1x256x128xf32, #tpu.memory_space<hbm>>)
    %dma_wait3A_297 = arith.constant 7 : i32
    %dma_wait3A_298 = arith.constant 0 : i32
    %dma_wait3A_299 = arith.constant 0 : i32
    %dma_wait3A_300 = arith.constant 0 : i32
    %dma_wait3A_301 = tpu.memref_slice %arg4[%add3A, %dma_wait3A_297, %dma_wait3A_298, %dma_wait3A_299, %dma_wait3A_300] : memref<32x8x1x256x128xf32, #tpu.memory_space<hbm>> -> memref<1x1x1x256x128xf32, #tpu.memory_space<hbm>>
    %dma_wait3A_302 = tpu.memref_squeeze %dma_wait3A_301 : memref<1x1x1x256x128xf32, #tpu.memory_space<hbm>> -> memref<1x256x128xf32, #tpu.memory_space<hbm>>
    %dma_wait3A_303 = arith.constant 0 : i32
    %dma_wait3A_304 = arith.constant 0 : i32
    %dma_wait3A_305 = arith.constant 0 : i32
    %dma_wait3A_306 = tpu.memref_slice %arg4[%add3A, %dma_wait3A_297, %dma_wait3A_303, %dma_wait3A_304, %dma_wait3A_305] : memref<32x8x1x256x128xf32, #tpu.memory_space<hbm>> -> memref<1x1x1x256x128xf32, #tpu.memory_space<hbm>>
    %dma_wait3A_307 = tpu.memref_squeeze %dma_wait3A_306 : memref<1x1x1x256x128xf32, #tpu.memory_space<hbm>> -> memref<1x256x128xf32, #tpu.memory_space<hbm>>
    tpu.wait_dma2 semaphore(%arg13 : memref<!tpu.dma_semaphore, #tpu.memory_space<semaphore_mem>>) src(%arg7 : memref<1x256x128xf32, #tpu.memory_space<vmem>>) dst(%dma_wait3A_307 : memref<1x256x128xf32, #tpu.memory_space<hbm>>)
    %dma_wait3A_308 = arith.constant 5 : i32
    %dma_wait3A_309 = arith.constant 0 : i32
    %dma_wait3A_310 = arith.constant 0 : i32
    %dma_wait3A_311 = arith.constant 0 : i32
    %dma_wait3A_312 = tpu.memref_slice %arg4[%add3A, %dma_wait3A_308, %dma_wait3A_309, %dma_wait3A_310, %dma_wait3A_311] : memref<32x8x1x256x128xf32, #tpu.memory_space<hbm>> -> memref<1x1x1x256x128xf32, #tpu.memory_space<hbm>>
    %dma_wait3A_313 = tpu.memref_squeeze %dma_wait3A_312 : memref<1x1x1x256x128xf32, #tpu.memory_space<hbm>> -> memref<1x256x128xf32, #tpu.memory_space<hbm>>
    %dma_wait3A_314 = arith.constant 0 : i32
    %dma_wait3A_315 = arith.constant 0 : i32
    %dma_wait3A_316 = arith.constant 0 : i32
    %dma_wait3A_317 = tpu.memref_slice %arg4[%add3A, %dma_wait3A_308, %dma_wait3A_314, %dma_wait3A_315, %dma_wait3A_316] : memref<32x8x1x256x128xf32, #tpu.memory_space<hbm>> -> memref<1x1x1x256x128xf32, #tpu.memory_space<hbm>>
    %dma_wait3A_318 = tpu.memref_squeeze %dma_wait3A_317 : memref<1x1x1x256x128xf32, #tpu.memory_space<hbm>> -> memref<1x256x128xf32, #tpu.memory_space<hbm>>
    tpu.wait_dma2 semaphore(%arg14 : memref<!tpu.dma_semaphore, #tpu.memory_space<semaphore_mem>>) src(%arg8 : memref<1x256x128xf32, #tpu.memory_space<vmem>>) dst(%dma_wait3A_318 : memref<1x256x128xf32, #tpu.memory_space<hbm>>)
    return
  }
}

</mosaic_0001>

<sc_bundles>
// kernel: kernel.3.cloned.1.call-start
scs
__scs_entry_jumppad:
0x0: {  	(pc) =	sbr.rel $0x88, $3  }
0x1: {  	(tag) =	ssettag $0x0;
	lr =	simm.s32 $0x1  }
0x2: {  	[smem:$0x3F9F] =	sst lr;
	_ =	strace $0xD0000000  }
0x3: {  	_ = 	snop  }
0x4: {  	_ = 	snop  }
0x5: {  	_ = 	snop  }
0x6: {  	_ = 	snop  }
0x7: {  	_ = 	snop  }
__scs_overlays_trampoline_lowered:
0x8: {  	[smem:$0x3FAE] =	sst s0  }
0x9: {  	[smem:$0x3FAF] =	sst s1  }
0xa: {  	[smem:$0x3FB0] =	sst s2  }
0xb: {  	[smem:$0x3FB1] =	sst s3  }
0xc: {  	[smem:$0x3FB2] =	sst s4  }
0xd: {  	[smem:$0x3FB3] =	sst s5  }
0xe: {  	[smem:$0x3FB4] =	sst s6  }
0xf: {  	[smem:$0x3FB5] =	sst s7  }
0x10: {  	[smem:$0x3FB6] =	sst s8  }
0x11: {  	[smem:$0x3FB7] =	sst s9;
	s0 =	simm.s32 @!p0 $0x0  }
0x12: {  	s1 =	sld [smem:$0x3F9D];
	s0 =	simm.s32 @p0 $0x1  }
0x13: {  	[smem:$0x3FB8] =	sst s0;
	s0 =	simm.s32 @!p1 $0x0  }
0x14: {  	s2 =	sld [smem:$0x3F9C];
	s0 =	simm.s32 @p1 $0x1  }
0x15: {  	[smem:$0x3FB9] =	sst s0;
	s0 =	simm.s32 @!p2 $0x0  }
0x16: {  	s3 =	sld [smem:$0x3FDB];
	s0 =	simm.s32 @p2 $0x1  }
0x17: {  	s4 =	simm.s32 $0x1BF5;
	[smem:$0x3FBB] =	sst s0  }
0x18: {  	s0 =	sld [smem:$0x3F9E];
	_ =	swait.ge [sflag:s4], $0x0  }
0x19: {  	s7 =	sld [smem:$0x3F9F]  }
0x1a: {  	s8 =	sadd.s32 $0xFFFFE003, lr  }
0x1b: {  	s9 =	sadd.s32 $0xFFFFFEF7, lr;
	s5 =	simm.s32 $0xFFFFFFFF;
	p2 =	slt.u32 s8, $0xFFFFF086  }
0x1c: {  	p1 =	slt.u32 s9, $0xF7A;
	s5 =	simm.s32 @!p2 $0x0  }
0x1d: {  	s5 =	simm.s32 @p1 $0x1;
	p0 =	seq.s32 s7, s2  }
0x1e: {  	s7 =	smul.u32 @!p0 $0xF7A, s2;
	p2 =	seq.s32 @!p0 s5, $0x0  }
0x1f: {  	s9 =	smul.u32 $0xF7A, s1;
	s8 =	simm.s32 @!p0 $0x1BF5;
	p2 =	por !p2, p0  }
0x20: {  	[sflag:s8] =	ssyncset.s32 @!p0 $0xFFFFF086;
	s6 =	sadd.s32 @!p0 s3, s7;
	s7 =	simm.s32 @!p0 $0x108  }
0x21: {  	s3 =	sadd.s32 s3, s9;
	s6 =	sadd.s32 @!p0 $0x88, s6;
	s7 =	simm.s32 @p2 $0x1082  }
0x22: {  	[simem:s7], [sflag:s8] =	dma.local @!p0 [hbm:s6], $0xF7A  }
0x23: {  	s9 =	sor.u32 $0xD0000000, s2;
	s6 =	simm.s32 $0x108;
	_ =	swait.ge @!p0 [sflag:s8], $0x0  }
0x24: {  	s3 =	sadd.s32 $0x88, s3;
	s6 =	simm.s32 @!p1 $0x1082;
	[sflag:s4] =	ssyncset.s32 $0xFFFFF086  }
0x25: {  	[simem:s6], [sflag:s4] =	dma.local [hbm:s3], $0xF7A  }
0x26: {  	[smem:$0x3F9F] =	sst s1;
	(tag) =	ssettag s2;
	_ =	strace s9  }
0x27: {  	s1 =	sld [smem:$0x3FAF]  }
0x28: {  	s2 =	sld [smem:$0x3FB0]  }
0x29: {  	s4 =	sld [smem:$0x3FB2]  }
0x2a: {  	p0 =	seq.s32 s5, $0x0;
	s5 =	sld [smem:$0x3FB3]  }
0x2b: {  	s6 =	sld [smem:$0x3FB4]  }
0x2c: {  	s7 =	sld [smem:$0x3FB5]  }
0x2d: {  	s3 =	simm.s32 $0x108;
	s8 =	sld [smem:$0x3FB6]  }
0x2e: {  	s3 =	simm.s32 @!p0 $0x1082;
	s9 =	sld [smem:$0x3FB7]  }
0x2f: {  	lr =	sadd.s32 s0, s3;
	s0 =	sld [smem:$0x3FAE]  }
0x30: {  	s3 =	sld [smem:$0x3FB1]  }
0x31: {  	[smem:$0x3FBA] =	sst s10  }
0x32: {  	s10 =	sld [smem:$0x3FB8];
	_ =	sdelay $0x3  }
0x33: {  	p0 =	seq.s32 s10, $0x1;
	s10 =	sld [smem:$0x3FBA];
	_ =	sdelay $0x3  }
0x34: {  	[smem:$0x3FBA] =	sst s10  }
0x35: {  	s10 =	sld [smem:$0x3FB9];
	_ =	sdelay $0x3  }
0x36: {  	p1 =	seq.s32 s10, $0x1;
	s10 =	sld [smem:$0x3FBA];
	_ =	sdelay $0x3  }
0x37: {  	[smem:$0x3FBA] =	sst s10  }
0x38: {  	s10 =	sld [smem:$0x3FBB]  }
0x39: {  	_ = 	snop;
	(pc) =	sbr.ind lr, $3  }
0x3a: {  	_ = 	snop  }
0x3b: {  	_ = 	snop  }
0x3c: {  	p2 =	seq.s32 s10, $0x1;
	s10 =	sld [smem:$0x3FBA]  }
0x3d: {  	_ =	shalt  }
0x3e: {  	_ =	shalt  }
0x3f: {  	_ =	shalt  }
0x40: {  	_ =	shalt  }
0x41: {  	_ =	shalt  }
0x42: {  	_ =	shalt  }
0x43: {  	_ =	shalt  }
0x44: {  	_ =	shalt  }
0x45: {  	_ =	shalt  }
0x46: {  	_ =	shalt  }
0x47: {  	_ =	shalt  }
0x48: {  	_ =	shalt  }
0x49: {  	_ =	shalt  }
0x4a: {  	_ =	shalt  }
0x4b: {  	_ =	shalt  }
0x4c: {  	_ =	shalt  }
0x4d: {  	_ =	shalt  }
0x4e: {  	_ =	shalt  }
0x4f: {  	_ =	shalt  }
0x50: {  	_ =	shalt  }
0x51: {  	_ =	shalt  }
0x52: {  	_ =	shalt  }
0x53: {  	_ =	shalt  }
0x54: {  	_ =	shalt  }
0x55: {  	_ =	shalt  }
0x56: {  	_ =	shalt  }
0x57: {  	_ =	shalt  }
0x58: {  	_ =	shalt  }
0x59: {  	_ =	shalt  }
0x5a: {  	_ =	shalt  }
0x5b: {  	_ =	shalt  }
0x5c: {  	_ =	shalt  }
0x5d: {  	_ =	shalt  }
0x5e: {  	_ =	shalt  }
0x5f: {  	_ =	shalt  }
0x60: {  	_ =	shalt  }
0x61: {  	_ =	shalt  }
0x62: {  	_ =	shalt  }
0x63: {  	_ =	shalt  }
0x64: {  	_ =	shalt  }
0x65: {  	_ =	shalt  }
0x66: {  	_ =	shalt  }
0x67: {  	_ =	shalt  }
0x68: {  	_ =	shalt  }
0x69: {  	_ =	shalt  }
0x6a: {  	_ =	shalt  }
0x6b: {  	_ =	shalt  }
0x6c: {  	_ =	shalt  }
0x6d: {  	_ =	shalt  }
0x6e: {  	_ =	shalt  }
0x6f: {  	_ =	shalt  }
0x70: {  	_ =	shalt  }
0x71: {  	_ =	shalt  }
0x72: {  	_ =	shalt  }
0x73: {  	_ =	shalt  }
0x74: {  	_ =	shalt  }
0x75: {  	_ =	shalt  }
0x76: {  	_ =	shalt  }
0x77: {  	_ =	shalt  }
0x78: {  	_ =	shalt  }
0x79: {  	_ =	shalt  }
0x7a: {  	_ =	shalt  }
0x7b: {  	_ =	shalt  }
0x7c: {  	_ =	shalt  }
0x7d: {  	_ =	shalt  }
0x7e: {  	_ =	shalt  }
0x7f: {  	_ =	shalt  }
0x80: {  	_ =	shalt  }
0x81: {  	_ =	shalt  }
0x82: {  	_ =	shalt  }
0x83: {  	_ =	shalt  }
0x84: {  	_ =	shalt  }
0x85: {  	_ =	shalt  }
0x86: {  	_ =	shalt  }
0x87: {  	_ =	shalt  }
.Lfunc_end0:
.L_simem_size_0:
called_computation_lowered:
.L_overlay_start_0:
0x88: {  	s2 =	sld [smem:$0x3FD9]  }
0x89: {  	s3 =	sld [smem:$0x3FFE];
	_ =	sdelay $0x1  }
0x8a: {  	s1 =	srdreg.scid  }
0x8b: {  	s0 =	sand.u32 $0x1, s1  }
0x8c: {  	s18 =	sshll.u32 s0, $0xA;
	s2 =	sadd.s32 s3, s2  }
0x8d: {  	s2 =	sadd.s32 s2, s18  }
0x8e: {  	[smem:$0x3FC6] =	sst s2  }
0x8f: {  	_ = 	snop  }
0x90: {  	s2 =	sld [smem:$0x3FC9]  }
0x91: {  	s19 =	sld [smem:$0x3FC8]  }
0x92: {  	s4 =	sld [smem:$0x3FD0];
	(tm) =	ssettm $0x1  }
0x93: {  	s5 =	sld [smem:$0x3FFB];
	_ =	sdelay $0x3  }
0x94: {  	_ =	strace s5  }
0x95: {  	s5 =	sld [smem:$0x3FFC];
	_ =	sdelay $0x3  }
0x96: {  	_ =	strace s5  }
0x97: {  	s5 =	sld [smem:$0x3FFD];
	_ =	sdelay $0x3  }
0x98: {  	_ =	strace s5  }
0x99: {  	_ =	strace $0x8FFFFFFF  }
0x9a: {  	s20 =	sld [smem:$0x3FDB];
	_ =	sdelay $0x1  }
0x9b: {  	s6 =	simm.s32 $_scs_section_size  }
0x9c: {  	s7 =	simm.s32 $_size__tile_overlayer_lowered;
	s8 =	simm.s32 $_tile_overlayer_lowered  }
0x9d: {  	s23 =	simm.s32 $0x1BFF;
	s22 =	sshll.u32 s8, $0x1;
	s5 =	sadd.s32 s6, s20  }
0x9e: {  	s9 =	simm.s32 $0x0;
	s21 =	sshll.u32 s7, $0x1;
	s7 =	sadd.s32 s22, s5  }
0x9f: {  	[timem:s9], [sflag:s23] =	dma.local [hbm:s7], s21  }
0xa0: {  	_ =	swait.ge [sflag:s23], s21  }
0xa1: {  	s6 =	ssub.s32 $0x0, s21;
	[sflag:s23] =	ssyncset.done $0x0  }
0xa2: {  	[sflag:s23] =	ssyncadd.s32 s6;
	_ =	sdelay $0x1  }
0xa3: {  	s24 =	simm.s32 $0x1B8B  }
0xa4: {  	_ =	swait.ge [sflag:s24], $0x1  }
0xa5: {  	[sflag:s24] =	ssyncset.done $0x0  }
0xa6: {  	s25 =	simm.s32 $0x1B8E;
	[sflag:s24] =	ssyncadd.s32 $0xFFFFFFFF  }
0xa7: {  	s26 =	simm.s32 $execute0_lowered;
	[smem:$0x3FD2] =	sst s25  }
0xa8: {  	s6 =	sshll.u32 s26, $0x1;
	_ =	strace $0x80000046;
	[dreg:$0x1] =	wrdreg $0xFFFFFFFF  }
0xa9: {  	s28 =	simm.s32 $_size_execute0_lowered;
	s5 =	sadd.s32 s5, s6;
	[dreg:$0x0] =	wrdreg $0x0  }
0xaa: {  	s6 =	sshll.u32 s28, $0x1;
	[dreg:$0x2] =	wrdreg s5  }
0xab: {  	[dreg:$0x3] =	wrdreg s6  }
0xac: {  	[dreg:$0x4] =	wrdreg $0xC0  }
0xad: {  	_ =	task [dreg:s9], $0x5FFFF  }
0xae: {  	[dreg:$0x1] =	wrdreg $0xFFFFFFFF  }
0xaf: {  	[dreg:$0x0] =	wrdreg $0x60  }
0xb0: {  	[dreg:$0x2] =	wrdreg s2  }
0xb1: {  	[dreg:$0x3] =	wrdreg s19  }
0xb2: {  	[dreg:$0x4] =	wrdreg s4  }
0xb3: {  	[dreg:$0x5] =	wrdreg $0x9  }
0xb4: {  	_ =	task.clear_ibuf [dreg:s9], $0x6FFFF;
	_ =	strace $0x90000046  }
0xb5: {  	s29 =	simm.s32 $0x9;
	_ =	strace $0x80000048  }
0xb6: {  	_ =	swait.ge [sflag:s29], $0x1  }
0xb7: {  	[sflag:s29] =	ssyncadd.s32 $0xFFFFFFFF  }
0xb8: {  	_ =	strace $0x90000048  }
0xb9: {  	_ =	sfence  }
0xba: {  	s30 =	sld [smem:$0x0];
	_ =	sdelay $0x2  }
0xbb: {  	s31 =	sshll.u32 s1, $0xD;
	s1 =	sshrl.u32 s1, $0x2  }
0xbc: {  	s3 =	sand.u32 $0x4000, s31;
	s1 =	sadd.s32 s1, s30  }
0xbd: {  	s0 =	sor.u32 s3, s0;
	s1 =	sshll.u32 s1, $0x11  }
0xbe: {  	s0 =	sor.u32 s1, s0  }
0xbf: {  	s0 =	sadd.s32 $0x8F2B, s0  }
0xc0: {  	[sflag:s0] =	ssyncadd.remote.s32 $0x1  }
0xc1: {  	_ =	sfence.sel $0xFFFF  }
0xc2: {  	[dreg:$0x0] =	wrdreg $0xFFFFFFFF;
	(pc) =	sbr.abs _section_cstart, $3  }
0xc3: {  	[dreg:$0x1] =	wrdreg $0xFFFFFFFF  }
0xc4: {  	_ =	task.clear_ibuf [dreg:s9], $0x2FFFF;
	_ =	strace $0x9FFFFFFF  }
0xc5: {  	(tm) =	ssettm $0x7FFFFFFF  }
tec
execute0_lowered:
.L_overlay_start_1:
0x0: {  	(tag) =	ssettag $0x1  }
0x1: {  	s2 =	rddreg [dreg:$0x0]  }
0x2: {  	s1 =	srdreg.scid;
	s0 =	stileid.u32  }
0x3: {  	s4 =	rddreg [dreg:$0x1];
	s31 =	sand.u32 $0x1, s1;
	s5 =	sshll.u32 s0, $0x1  }
0x4: {  	s12 =	rddreg [dreg:$0x2];
	s3 =	simm.s32 $0x0;
	s13 =	sor.u32 s31, s5  }
0x5: {  	[smem:$0x7FF] =	sst s3;
	s5 =	sshll.u32 s13, $0x8  }
0x6: {  	_ =	strace $0x80000047;
	s4 =	sadd.s32 s4, s5;
	s5 =	simm.s32 $0x7  }
0x7: {  	[tilespmem:s3], [sflag:$0x7] =	stream.linear.gather [hbm4b:s4+s3], $0x800, $0x38;
	[tilespmem:$0x18800] =	vst v63  }
0x8: {  	_ =	swait.ge [sflag:s5], $0x800  }
0x9: {  	[sflag:s5] =	ssyncset.done $0x0  }
0xa: {  	s6 =	simm.s32 $0x100;
	s7 =	simm.s32 $0x800;
	[sflag:s5] =	ssyncadd.s32 $0xFFFFF800  }
0xb: {  	[tilespmem:s7], [sflag:$0x1] =	stream.indirect.gather [hbm4b:s2+s6], $0x80, s3, s6, $0xb8;
	[tilespmem:$0x18800] =	vst v63  }
0xc: {  	s8 =	simm.s32 $0x8800  }
0xd: {  	[tilespmem:s8], [sflag:$0x2] =	stream.indirect.gather [hbm4b:s2+s6], $0x80, s6, s6, $0xb8;
	[tilespmem:$0x18800] =	vst v63  }
0xe: {  	s9 =	simm.s32 $0x200;
	s10 =	simm.s32 $0x10800;
	s11 =	simm.s32 $0x1  }
0xf: {  	[tilespmem:s10], [sflag:$0x3] =	stream.indirect.gather [hbm4b:s2+s6], $0x80, s9, s6, $0xb8;
	[tilespmem:$0x18800] =	vst v63  }
0x10: {  	_ =	swait.ge [sflag:s11], $0x8000  }
0x11: {  	s13 =	sshll.u32 s13, $0xF;
	[sflag:s11] =	ssyncset.done $0x0  }
0x12: {  	s12 =	sadd.s32 s12, s13;
	s13 =	simm.s32 $0x4;
	[sflag:s11] =	ssyncadd.s32 $0xFFFF8000  }
0x13: {  	[hbm4b:s12+s3] =	stream.linear.scatter [tilespmem:s7], [sflag:$0x4], $0x8000, $0x38;
	[tilespmem:$0x18800] =	vst v63  }
0x14: {  	_ =	swait.ge [sflag:s13], $0x8000  }
0x15: {  	[sflag:s13] =	ssyncset.done $0x0  }
0x16: {  	s14 =	simm.s32 $0x300;
	s15 =	simm.s32 $0x2;
	[sflag:s13] =	ssyncadd.s32 $0xFFFF8000  }
0x17: {  	[tilespmem:s7], [sflag:$0x1] =	stream.indirect.gather [hbm4b:s2+s6], $0x80, s14, s6, $0xb8;
	[tilespmem:$0x18800] =	vst v63  }
0x18: {  	_ =	swait.ge [sflag:s15], $0x8000  }
0x19: {  	[sflag:s15] =	ssyncset.done $0x0  }
0x1a: {  	s17 =	simm.s32 $0x5;
	s16 =	sadd.s32 $0x1000, s12;
	[sflag:s15] =	ssyncadd.s32 $0xFFFF8000  }
0x1b: {  	[hbm4b:s16+s3] =	stream.linear.scatter [tilespmem:s8], [sflag:$0x5], $0x8000, $0x38;
	[tilespmem:$0x18800] =	vst v63  }
0x1c: {  	_ =	swait.ge [sflag:s17], $0x8000  }
0x1d: {  	[sflag:s17] =	ssyncset.done $0x0  }
0x1e: {  	s18 =	simm.s32 $0x400;
	s19 =	simm.s32 $0x3;
	[sflag:s17] =	ssyncadd.s32 $0xFFFF8000  }
0x1f: {  	[tilespmem:s8], [sflag:$0x2] =	stream.indirect.gather [hbm4b:s2+s6], $0x80, s18, s6, $0xb8;
	[tilespmem:$0x18800] =	vst v63  }
0x20: {  	_ =	swait.ge [sflag:s19], $0x8000  }
0x21: {  	[sflag:s19] =	ssyncset.done $0x0  }
0x22: {  	s20 =	simm.s32 $0x6;
	s21 =	sadd.s32 $0x2000, s12;
	[sflag:s19] =	ssyncadd.s32 $0xFFFF8000  }
0x23: {  	[hbm4b:s21+s3] =	stream.linear.scatter [tilespmem:s10], [sflag:$0x6], $0x8000, $0x38;
	[tilespmem:$0x18800] =	vst v63  }
0x24: {  	_ =	swait.ge [sflag:s20], $0x8000  }
0x25: {  	[sflag:s20] =	ssyncset.done $0x0  }
0x26: {  	s22 =	simm.s32 $0x500;
	[sflag:s20] =	ssyncadd.s32 $0xFFFF8000  }
0x27: {  	[tilespmem:s10], [sflag:$0x3] =	stream.indirect.gather [hbm4b:s2+s6], $0x80, s22, s6, $0xb8;
	[tilespmem:$0x18800] =	vst v63  }
0x28: {  	_ =	swait.ge [sflag:s11], $0x8000  }
0x29: {  	[sflag:s11] =	ssyncset.done $0x0  }
0x2a: {  	s23 =	sadd.s32 $0x3000, s12;
	[sflag:s11] =	ssyncadd.s32 $0xFFFF8000  }
0x2b: {  	[hbm4b:s23+s3] =	stream.linear.scatter [tilespmem:s7], [sflag:$0x4], $0x8000, $0x38;
	[tilespmem:$0x18800] =	vst v63  }
0x2c: {  	_ =	swait.ge [sflag:s13], $0x8000  }
0x2d: {  	[sflag:s13] =	ssyncset.done $0x0  }
0x2e: {  	s24 =	simm.s32 $0x600;
	[sflag:s13] =	ssyncadd.s32 $0xFFFF8000  }
0x2f: {  	[tilespmem:s7], [sflag:$0x1] =	stream.indirect.gather [hbm4b:s2+s6], $0x80, s24, s6, $0xb8;
	[tilespmem:$0x18800] =	vst v63  }
0x30: {  	_ =	swait.ge [sflag:s15], $0x8000  }
0x31: {  	[sflag:s15] =	ssyncset.done $0x0  }
0x32: {  	s25 =	sadd.s32 $0x4000, s12;
	[sflag:s15] =	ssyncadd.s32 $0xFFFF8000  }
0x33: {  	[hbm4b:s25+s3] =	stream.linear.scatter [tilespmem:s8], [sflag:$0x5], $0x8000, $0x38;
	[tilespmem:$0x18800] =	vst v63  }
0x34: {  	_ =	swait.ge [sflag:s17], $0x8000  }
0x35: {  	[sflag:s17] =	ssyncset.done $0x0  }
0x36: {  	s26 =	simm.s32 $0x700;
	[sflag:s17] =	ssyncadd.s32 $0xFFFF8000  }
0x37: {  	[tilespmem:s8], [sflag:$0x2] =	stream.indirect.gather [hbm4b:s2+s6], $0x80, s26, s6, $0xb8;
	[tilespmem:$0x18800] =	vst v63  }
0x38: {  	_ =	swait.ge [sflag:s19], $0x8000  }
0x39: {  	[sflag:s19] =	ssyncset.done $0x0  }
0x3a: {  	s28 =	sadd.s32 $0x5000, s12;
	[sflag:s19] =	ssyncadd.s32 $0xFFFF8000  }
0x3b: {  	[hbm4b:s28+s3] =	stream.linear.scatter [tilespmem:s10], [sflag:$0x6], $0x8000, $0x38;
	[tilespmem:$0x18800] =	vst v63  }
0x3c: {  	_ =	swait.ge [sflag:s11], $0x8000  }
0x3d: {  	[sflag:s11] =	ssyncset.done $0x0  }
0x3e: {  	s29 =	sadd.s32 $0x6000, s12;
	[sflag:s11] =	ssyncadd.s32 $0xFFFF8000  }
0x3f: {  	[hbm4b:s29+s3] =	stream.linear.scatter [tilespmem:s7], [sflag:$0x4], $0x8000, $0x38;
	[tilespmem:$0x18800] =	vst v63  }
0x40: {  	_ =	swait.ge [sflag:s15], $0x8000  }
0x41: {  	s31 =	ssub.s32 $0x2, s31;
	[sflag:s15] =	ssyncset.done $0x0  }
0x42: {  	s1 =	sshrl.u32 s31, $0x1;
	s30 =	sadd.s32 $0x7000, s12;
	[sflag:s15] =	ssyncadd.s32 $0xFFFF8000  }
0x43: {  	[hbm4b:s30+s3] =	stream.linear.scatter [tilespmem:s8], [sflag:$0x5], $0x8000, $0x38;
	[tilespmem:$0x18800] =	vst v63  }
0x44: {  	s1 =	ssub.s32 s31, s1;
	_ =	swait.ge [sflag:s13], $0x8000  }
0x45: {  	s1 =	smax.u32 s1, $0x1;
	[sflag:s13] =	ssyncset.done $0x0  }
0x46: {  	p0 =	sne.s32 s1, $0x1;
	[sflag:s13] =	ssyncadd.s32 $0xFFFF8000  }
.Ltmp0:
0x47: {  	_ =	swait.ge [sflag:s17], $0x8000;
	(pc) =	sbr.rel @!p0 .LBB2_2-.Ltmp0, $4  }
0x48: {  	[sflag:s17] =	ssyncset.done $0x0  }
0x49: {  	[sflag:s17] =	ssyncadd.s32 $0xFFFF8000  }
0x4a: {  	_ =	swait.ge [sflag:s20], $0x8000  }
0x4b: {  	s31 =	sadd.s32 $0xFFFFFFFF, s1;
	[sflag:s20] =	ssyncset.done $0x0  }
.LBB2_1:
0x4c: {  	p0 =	sne.s32 s31, $0x1;
	s31 =	sadd.s32 $0xFFFFFFFF, s31;
	[sflag:s20] =	ssyncadd.s32 $0xFFFF8000  }
0x4d: {  	[tilespmem:s3], [sflag:$0x7] =	stream.linear.gather [hbm4b:s4+s3], $0x800, $0x38;
	[tilespmem:$0x18800] =	vst v63  }
0x4e: {  	_ =	swait.ge [sflag:s5], $0x800  }
0x4f: {  	[sflag:s5] =	ssyncset.done $0x0  }
0x50: {  	[sflag:s5] =	ssyncadd.s32 $0xFFFFF800  }
0x51: {  	[tilespmem:s7], [sflag:$0x1] =	stream.indirect.gather [hbm4b:s2+s6], $0x80, s3, s6, $0xb8;
	[tilespmem:$0x18800] =	vst v63  }
0x52: {  	_ = 	snop  }
0x53: {  	[tilespmem:s8], [sflag:$0x2] =	stream.indirect.gather [hbm4b:s2+s6], $0x80, s6, s6, $0xb8;
	[tilespmem:$0x18800] =	vst v63  }
0x54: {  	_ = 	snop  }
0x55: {  	[tilespmem:s10], [sflag:$0x3] =	stream.indirect.gather [hbm4b:s2+s6], $0x80, s9, s6, $0xb8;
	[tilespmem:$0x18800] =	vst v63  }
0x56: {  	_ =	swait.ge [sflag:s11], $0x8000  }
0x57: {  	[sflag:s11] =	ssyncset.done $0x0  }
0x58: {  	[sflag:s11] =	ssyncadd.s32 $0xFFFF8000  }
0x59: {  	[hbm4b:s12+s3] =	stream.linear.scatter [tilespmem:s7], [sflag:$0x4], $0x8000, $0x38;
	[tilespmem:$0x18800] =	vst v63  }
0x5a: {  	_ =	swait.ge [sflag:s13], $0x8000  }
0x5b: {  	[sflag:s13] =	ssyncset.done $0x0  }
0x5c: {  	[sflag:s13] =	ssyncadd.s32 $0xFFFF8000  }
0x5d: {  	[tilespmem:s7], [sflag:$0x1] =	stream.indirect.gather [hbm4b:s2+s6], $0x80, s14, s6, $0xb8;
	[tilespmem:$0x18800] =	vst v63  }
0x5e: {  	_ =	swait.ge [sflag:s15], $0x8000  }
0x5f: {  	[sflag:s15] =	ssyncset.done $0x0  }
0x60: {  	[sflag:s15] =	ssyncadd.s32 $0xFFFF8000  }
0x61: {  	[hbm4b:s16+s3] =	stream.linear.scatter [tilespmem:s8], [sflag:$0x5], $0x8000, $0x38;
	[tilespmem:$0x18800] =	vst v63  }
0x62: {  	_ =	swait.ge [sflag:s17], $0x8000  }
0x63: {  	[sflag:s17] =	ssyncset.done $0x0  }
0x64: {  	[sflag:s17] =	ssyncadd.s32 $0xFFFF8000  }
0x65: {  	[tilespmem:s8], [sflag:$0x2] =	stream.indirect.gather [hbm4b:s2+s6], $0x80, s18, s6, $0xb8;
	[tilespmem:$0x18800] =	vst v63  }
0x66: {  	_ =	swait.ge [sflag:s19], $0x8000  }
0x67: {  	[sflag:s19] =	ssyncset.done $0x0  }
0x68: {  	[sflag:s19] =	ssyncadd.s32 $0xFFFF8000  }
0x69: {  	[hbm4b:s21+s3] =	stream.linear.scatter [tilespmem:s10], [sflag:$0x6], $0x8000, $0x38;
	[tilespmem:$0x18800] =	vst v63  }
0x6a: {  	_ =	swait.ge [sflag:s20], $0x8000  }
0x6b: {  	[sflag:s20] =	ssyncset.done $0x0  }
0x6c: {  	[sflag:s20] =	ssyncadd.s32 $0xFFFF8000  }
0x6d: {  	[tilespmem:s10], [sflag:$0x3] =	stream.indirect.gather [hbm4b:s2+s6], $0x80, s22, s6, $0xb8;
	[tilespmem:$0x18800] =	vst v63  }
0x6e: {  	_ =	swait.ge [sflag:s11], $0x8000  }
0x6f: {  	[sflag:s11] =	ssyncset.done $0x0  }
0x70: {  	[sflag:s11] =	ssyncadd.s32 $0xFFFF8000  }
0x71: {  	[hbm4b:s23+s3] =	stream.linear.scatter [tilespmem:s7], [sflag:$0x4], $0x8000, $0x38;
	[tilespmem:$0x18800] =	vst v63  }
0x72: {  	_ =	swait.ge [sflag:s13], $0x8000  }
0x73: {  	[sflag:s13] =	ssyncset.done $0x0  }
0x74: {  	[sflag:s13] =	ssyncadd.s32 $0xFFFF8000  }
0x75: {  	[tilespmem:s7], [sflag:$0x1] =	stream.indirect.gather [hbm4b:s2+s6], $0x80, s24, s6, $0xb8;
	[tilespmem:$0x18800] =	vst v63  }
0x76: {  	_ =	swait.ge [sflag:s15], $0x8000  }
0x77: {  	[sflag:s15] =	ssyncset.done $0x0  }
0x78: {  	[sflag:s15] =	ssyncadd.s32 $0xFFFF8000  }
0x79: {  	[hbm4b:s25+s3] =	stream.linear.scatter [tilespmem:s8], [sflag:$0x5], $0x8000, $0x38;
	[tilespmem:$0x18800] =	vst v63  }
0x7a: {  	_ =	swait.ge [sflag:s17], $0x8000  }
0x7b: {  	[sflag:s17] =	ssyncset.done $0x0  }
0x7c: {  	[sflag:s17] =	ssyncadd.s32 $0xFFFF8000  }
0x7d: {  	[tilespmem:s8], [sflag:$0x2] =	stream.indirect.gather [hbm4b:s2+s6], $0x80, s26, s6, $0xb8;
	[tilespmem:$0x18800] =	vst v63  }
0x7e: {  	_ =	swait.ge [sflag:s19], $0x8000  }
0x7f: {  	[sflag:s19] =	ssyncset.done $0x0  }
0x80: {  	[sflag:s19] =	ssyncadd.s32 $0xFFFF8000  }
0x81: {  	[hbm4b:s28+s3] =	stream.linear.scatter [tilespmem:s10], [sflag:$0x6], $0x8000, $0x38;
	[tilespmem:$0x18800] =	vst v63  }
0x82: {  	_ =	swait.ge [sflag:s11], $0x8000  }
0x83: {  	[sflag:s11] =	ssyncset.done $0x0  }
0x84: {  	[sflag:s11] =	ssyncadd.s32 $0xFFFF8000  }
0x85: {  	[hbm4b:s29+s3] =	stream.linear.scatter [tilespmem:s7], [sflag:$0x4], $0x8000, $0x38;
	[tilespmem:$0x18800] =	vst v63  }
0x86: {  	_ =	swait.ge [sflag:s15], $0x8000  }
0x87: {  	[sflag:s15] =	ssyncset.done $0x0  }
0x88: {  	[sflag:s15] =	ssyncadd.s32 $0xFFFF8000  }
0x89: {  	[hbm4b:s30+s3] =	stream.linear.scatter [tilespmem:s8], [sflag:$0x5], $0x8000, $0x38;
	[tilespmem:$0x18800] =	vst v63  }
0x8a: {  	_ =	swait.ge [sflag:s13], $0x8000  }
0x8b: {  	[sflag:s13] =	ssyncset.done $0x0  }
0x8c: {  	[sflag:s13] =	ssyncadd.s32 $0xFFFF8000  }
.Ltmp1:
0x8d: {  	_ =	swait.ge [sflag:s17], $0x8000;
	(pc) =	sbr.rel @p0 .LBB2_1-.Ltmp1, $4  }
0x8e: {  	[sflag:s17] =	ssyncset.done $0x0  }
0x8f: {  	[sflag:s17] =	ssyncadd.s32 $0xFFFF8000  }
0x90: {  	_ =	swait.ge [sflag:s20], $0x8000  }
0x91: {  	[sflag:s20] =	ssyncset.done $0x0  }
.LBB2_2:
0x92: {  	[sflag:s20] =	ssyncadd.s32 $0xFFFF8000  }
0x93: {  	_ =	sfence.sel $0x180000  }
0x94: {  	[bflag:$0x0] =	sbarrier.arrive $0xFFFF  }
0x95: {  	_ =	strace $0x90000047  }
0x96: {  	[bflag:$0x2] =	sbarrier.arrive $0xFFFF  }
0x97: {  	p0 =	sne.s32 s0, $0x0;
	s0 =	rddreg [dreg:$0x3]  }
0x98: {  	s0 =	sadd.s32 @!p0 $0x100000, s0  }
0x99: {  	[sflag:s0] =	ssyncadd.tile.s32 @!p0 $0x1;
	_ =	shalt  }
.Lfunc_end2:
_tile_overlayer_lowered:
.L_overlay_start_2:
0x9a: {  	(tag) =	ssettag $0x2  }
0x9b: {  	s0 =	rddreg [dreg:$0x0];
	s2 =	stileid.u32  }
0x9c: {  	s1 =	rddreg [dreg:$0x1];
	p0 =	sne.s32 s2, $0x0  }
0x9d: {  	s3 =	rddreg [dreg:$0x2];
	[bflag:$0x3] =	sbarrier.arrive $0xFFFF;
	s2 =	simm.s32 @!p0 $0x1C07  }
0x9e: {  	[timem:s3], [sflag:s2] =	dma.local @!p0 [hbm:s0], s1  }
0x9f: {  	s0 =	simm.s32 @!p0 $0x7  }
0xa0: {  	_ =	swait.ge @!p0 [sflag:s0], s1  }
0xa1: {  	s1 =	ssub.s32 @!p0 $0x0, s1;
	[sflag:s0] =	ssyncset.done @!p0 $0x0  }
0xa2: {  	[sflag:s0] =	ssyncadd.s32 @!p0 s1  }
0xa3: {  	[bflag:$0x3] =	sbarrier.arrive $0xFFFF  }
0xa4: {  	_ =	shalt  }

</sc_bundles>
